<compile_context>
chip_gen: v7x
topology: tpu7x:2x2x1
jax: 0.10.2.dev20260603
libtpu: 0.0.44.dev20260713+nightly
codegen_flags: <defaults>
</compile_context>

<pallas_src>
import functools

import jax
import jax.numpy as jnp
from jax import lax
from jax.experimental import pallas as pl
from jax.experimental.pallas import tpu as pltpu
from jax.experimental.pallas import tpu_sc as plsc

VOCAB = 30522
D = 768
B = 4096
L = 200

LANES = 16
NC = 2
NS = 16
NW = NC * NS
RB = B // NW
GROUPS = RB // LANES

VBLK = 3072
NVBLK = -(-VOCAB // VBLK)
VPAD = NVBLK * VBLK



def _matvec_body(emb_ref, wt_ref, b_ref, out_ref):
    x = emb_ref[...]
    w = wt_ref[...]
    out_ref[...] = jnp.sum(x * w, axis=1) + b_ref[0]


def _matvec(emb, wt, b):
    return pl.pallas_call(
        _matvec_body,
        grid=(NVBLK,),
        in_specs=[
            pl.BlockSpec((VBLK, D), lambda i: (i, 0)),
            pl.BlockSpec((1, D), lambda i: (0, 0)),
            pl.BlockSpec(memory_space=pltpu.SMEM),
        ],
        out_specs=pl.BlockSpec((VBLK,), lambda i: (i,)),
        out_shape=jax.ShapeDtypeStruct((VPAD,), jnp.float32),
    )(emb, wt, b)



@functools.partial(
    pl.kernel,
    out_type=jax.ShapeDtypeStruct((B,), jnp.float32),
    mesh=plsc.VectorSubcoreMesh(core_axis_name="c", subcore_axis_name="s"),
    compiler_params=pltpu.CompilerParams(needs_layout_passes=False),
    scratch_types=[
        pltpu.VMEM((L, RB), jnp.int32),
        pltpu.VMEM((VPAD,), jnp.float32),
        pltpu.VMEM((RB,), jnp.float32),
        pltpu.SemaphoreType.DMA,
        pltpu.SemaphoreType.DMA,
    ],
)
def _sc_gather_mean(ids_hbm, v_hbm, out_hbm, ids_v, v_v, out_v, sem_v, sem_i):
    wid = lax.axis_index("s") * NC + lax.axis_index("c")
    cp_v = pltpu.async_copy(v_hbm, v_v, sem_v)
    cp_i = pltpu.async_copy(ids_hbm.at[:, pl.ds(wid * RB, RB)], ids_v, sem_i)
    cp_v.wait()
    cp_i.wait()
    zeros = jnp.zeros((LANES,), jnp.float32)

    @plsc.parallel_loop(0, L, unroll=2, carry=(zeros,) * GROUPS)
    def accs(l, accs):
        new = []
        for g in range(GROUPS):
            ids16 = ids_v[l, pl.ds(g * LANES, LANES)]
            new.append(accs[g] + plsc.load_gather(v_v, [ids16]))
        return tuple(new)
    inv_l = jnp.float32(1.0 / L)
    for g in range(GROUPS):
        out_v[pl.ds(g * LANES, LANES)] = accs[g] * inv_l
    pltpu.sync_copy(out_v, out_hbm.at[pl.ds(wid * RB, RB)])



def kernel(input_ids, emb_table, W, b):
    wt = W.reshape(1, D).astype(jnp.float32)
    v = _matvec(emb_table, wt, b.astype(jnp.float32))
    ids_t = input_ids.astype(jnp.int32).T
    out = _sc_gather_mean(ids_t, v)
    return out.reshape(B, 1)

# --- scband reference (transcript-rebuilt; emitter-appended) ---
"""Pipeline reference for scband-my-model-61933428415875 (READ-ONLY COPY).

The authoritative reference and input builder live on the scoring server;
editing this copy changes nothing except your own understanding.
"""

import jax, jax.numpy as jnp
import numpy as np

VOCAB = 30522
D = 768
B = 4096
L = 200

def setup_inputs(seed: int = 0) -> dict:
    key = jax.random.key(seed)
    k1, k2, k3, k4 = jax.random.split(key, 4)
    input_ids = jax.random.randint(k1, (B, L), 0, VOCAB, dtype=jnp.int64 if jax.config.jax_enable_x64 else jnp.int32)
    emb_table = jax.random.normal(k2, (VOCAB, D), dtype=jnp.float32) * 0.02
    W = jax.random.normal(k3, (D, 1), dtype=jnp.float32) * 0.02
    b = jnp.zeros((1,), dtype=jnp.float32)
    return {"input_ids": input_ids, "emb_table": emb_table, "W": W, "b": b}

def reference(input_ids, emb_table, W, b):
    # nn.Embedding lookup
    x = jnp.take(emb_table, input_ids, axis=0)  # [B, L, D]
    # mean over sequence dim
    x = jnp.mean(x, axis=1)  # [B, D]
    # classifier linear
    out = x @ W + b  # [B, 1]
    return out

if __name__ == "__main__":
    import jax
    _d = setup_inputs()
    print(jax.jit(kernel)(*tuple(_d.values())))

</pallas_src>

<mosaic_0001>
#map = affine_map<(d0, d1) -> (0, 0)>
#map1 = affine_map<(d0, d1) -> (0)>
module attributes {stable_mosaic.version = 14 : i64} {
  func.func @_sc_gather_mean(%arg0: i32, %arg1: i32, %arg2: memref<200x4096xi32, #tpu.memory_space<hbm>>, %arg3: memref<30720xf32, #tpu.memory_space<hbm>>, %arg4: memref<4096xf32, #tpu.memory_space<hbm>>, %arg5: memref<200x128xi32, #tpu.memory_space<vmem>>, %arg6: memref<30720xf32, #tpu.memory_space<vmem>>, %arg7: memref<128xf32, #tpu.memory_space<vmem>>, %arg8: memref<!tpu.dma_semaphore, #tpu.memory_space<semaphore_mem>>, %arg9: memref<!tpu.dma_semaphore, #tpu.memory_space<semaphore_mem>>) attributes {dimension_semantics = [#tpu.dimension_semantics<core_parallel>, #tpu.dimension_semantics<subcore_parallel>], iteration_bounds = array<i64: 2, 16>, scalar_prefetch = 0 : i64, scratch_operands = 5 : i64, tpu.core_type = #tpu.core_type<sc_vector_subcore>, window_params = [{transform_indices = #map}, {transform_indices = #map1}, {transform_indices = #map1}]} {
    %mul3A = arith.constant 2 : i32
    %mul3A_0 = arith.muli %arg1, %mul3A : i32
    %add3A = arith.addi %mul3A_0, %arg0 : i32
    tpu.enqueue_dma source(%arg3 : memref<30720xf32, #tpu.memory_space<hbm>>) target(%arg6 : memref<30720xf32, #tpu.memory_space<vmem>>) target_semaphore(%arg8 : memref<!tpu.dma_semaphore, #tpu.memory_space<semaphore_mem>>)
    %mul3A_1 = arith.constant 128 : i32
    %mul3A_2 = arith.muli %add3A, %mul3A_1 : i32
    %dma_start3A = arith.constant 0 : i32
    %dma_start3A_3 = tpu.memref_slice %arg2[%dma_start3A, %mul3A_2] : memref<200x4096xi32, #tpu.memory_space<hbm>> -> memref<200x128xi32, #tpu.memory_space<hbm>>
    %dma_start3A_4 = arith.constant 0 : i32
    %dma_start3A_5 = tpu.memref_slice %arg2[%dma_start3A_4, %mul3A_2] : memref<200x4096xi32, #tpu.memory_space<hbm>> -> memref<200x128xi32, #tpu.memory_space<hbm>>
    tpu.enqueue_dma source(%dma_start3A_5 : memref<200x128xi32, #tpu.memory_space<hbm>>) target(%arg5 : memref<200x128xi32, #tpu.memory_space<vmem>>) target_semaphore(%arg9 : memref<!tpu.dma_semaphore, #tpu.memory_space<semaphore_mem>>)
    tpu.wait_dma2 semaphore(%arg8 : memref<!tpu.dma_semaphore, #tpu.memory_space<semaphore_mem>>) src(%arg3 : memref<30720xf32, #tpu.memory_space<hbm>>) dst(%arg6 : memref<30720xf32, #tpu.memory_space<vmem>>)
    %dma_wait3A = arith.constant 0 : i32
    %dma_wait3A_6 = tpu.memref_slice %arg2[%dma_wait3A, %mul3A_2] : memref<200x4096xi32, #tpu.memory_space<hbm>> -> memref<200x128xi32, #tpu.memory_space<hbm>>
    %dma_wait3A_7 = arith.constant 0 : i32
    %dma_wait3A_8 = tpu.memref_slice %arg2[%dma_wait3A_7, %mul3A_2] : memref<200x4096xi32, #tpu.memory_space<hbm>> -> memref<200x128xi32, #tpu.memory_space<hbm>>
    tpu.wait_dma2 semaphore(%arg9 : memref<!tpu.dma_semaphore, #tpu.memory_space<semaphore_mem>>) src(%dma_wait3A_8 : memref<200x128xi32, #tpu.memory_space<hbm>>) dst(%arg5 : memref<200x128xi32, #tpu.memory_space<vmem>>)
    %broadcast_in_dim3A = arith.constant 0.000000e+00 : f32
    %broadcast_in_dim3A_9 = vector.broadcast %broadcast_in_dim3A : f32 to vector<16xf32>
    %parallel_loop3A = arith.constant 0 : i32
    %parallel_loop3A_10 = arith.constant 200 : i32
    %parallel_loop3A_11 = arith.constant 1 : i32
    %parallel_loop3A_12:8 = scf.for %parallel_loop3A_54 = %parallel_loop3A to %parallel_loop3A_10 step %parallel_loop3A_11 iter_args(%parallel_loop3A_55 = %broadcast_in_dim3A_9, %parallel_loop3A_56 = %broadcast_in_dim3A_9, %parallel_loop3A_57 = %broadcast_in_dim3A_9, %parallel_loop3A_58 = %broadcast_in_dim3A_9, %parallel_loop3A_59 = %broadcast_in_dim3A_9, %parallel_loop3A_60 = %broadcast_in_dim3A_9, %parallel_loop3A_61 = %broadcast_in_dim3A_9, %parallel_loop3A_62 = %broadcast_in_dim3A_9) -> (vector<16xf32>, vector<16xf32>, vector<16xf32>, vector<16xf32>, vector<16xf32>, vector<16xf32>, vector<16xf32>, vector<16xf32>)  : i32 {
      %parallel_loop3A_63 = arith.index_cast %parallel_loop3A_54 : i32 to index
      %parallel_loop3A_64 = arith.constant 0 : index
      %parallel_loop3A_65 = tpu.vector_load %arg5[%parallel_loop3A_63, %parallel_loop3A_64] {strides = array<i32>} : memref<200x128xi32, #tpu.memory_space<vmem>>, vector<16xi32>,
      %parallel_loop3A_66 = tpu.vector_load_idx %arg6[%parallel_loop3A_65] : memref<30720xf32, #tpu.memory_space<vmem>>[vector<16xi32>], vector<16xf32>,
      %parallel_loop3A_67 = arith.addf %parallel_loop3A_55, %parallel_loop3A_66 : vector<16xf32>
      %parallel_loop3A_68 = arith.index_cast %parallel_loop3A_54 : i32 to index
      %parallel_loop3A_69 = arith.constant 16 : index
      %parallel_loop3A_70 = tpu.vector_load %arg5[%parallel_loop3A_68, %parallel_loop3A_69] {strides = array<i32>} : memref<200x128xi32, #tpu.memory_space<vmem>>, vector<16xi32>,
      %parallel_loop3A_71 = tpu.vector_load_idx %arg6[%parallel_loop3A_70] : memref<30720xf32, #tpu.memory_space<vmem>>[vector<16xi32>], vector<16xf32>,
      %parallel_loop3A_72 = arith.addf %parallel_loop3A_56, %parallel_loop3A_71 : vector<16xf32>
      %parallel_loop3A_73 = arith.index_cast %parallel_loop3A_54 : i32 to index
      %parallel_loop3A_74 = arith.constant 32 : index
      %parallel_loop3A_75 = tpu.vector_load %arg5[%parallel_loop3A_73, %parallel_loop3A_74] {strides = array<i32>} : memref<200x128xi32, #tpu.memory_space<vmem>>, vector<16xi32>,
      %parallel_loop3A_76 = tpu.vector_load_idx %arg6[%parallel_loop3A_75] : memref<30720xf32, #tpu.memory_space<vmem>>[vector<16xi32>], vector<16xf32>,
      %parallel_loop3A_77 = arith.addf %parallel_loop3A_57, %parallel_loop3A_76 : vector<16xf32>
      %parallel_loop3A_78 = arith.index_cast %parallel_loop3A_54 : i32 to index
      %parallel_loop3A_79 = arith.constant 48 : index
      %parallel_loop3A_80 = tpu.vector_load %arg5[%parallel_loop3A_78, %parallel_loop3A_79] {strides = array<i32>} : memref<200x128xi32, #tpu.memory_space<vmem>>, vector<16xi32>,
      %parallel_loop3A_81 = tpu.vector_load_idx %arg6[%parallel_loop3A_80] : memref<30720xf32, #tpu.memory_space<vmem>>[vector<16xi32>], vector<16xf32>,
      %parallel_loop3A_82 = arith.addf %parallel_loop3A_58, %parallel_loop3A_81 : vector<16xf32>
      %parallel_loop3A_83 = arith.index_cast %parallel_loop3A_54 : i32 to index
      %parallel_loop3A_84 = arith.constant 64 : index
      %parallel_loop3A_85 = tpu.vector_load %arg5[%parallel_loop3A_83, %parallel_loop3A_84] {strides = array<i32>} : memref<200x128xi32, #tpu.memory_space<vmem>>, vector<16xi32>,
      %parallel_loop3A_86 = tpu.vector_load_idx %arg6[%parallel_loop3A_85] : memref<30720xf32, #tpu.memory_space<vmem>>[vector<16xi32>], vector<16xf32>,
      %parallel_loop3A_87 = arith.addf %parallel_loop3A_59, %parallel_loop3A_86 : vector<16xf32>
      %parallel_loop3A_88 = arith.index_cast %parallel_loop3A_54 : i32 to index
      %parallel_loop3A_89 = arith.constant 80 : index
      %parallel_loop3A_90 = tpu.vector_load %arg5[%parallel_loop3A_88, %parallel_loop3A_89] {strides = array<i32>} : memref<200x128xi32, #tpu.memory_space<vmem>>, vector<16xi32>,
      %parallel_loop3A_91 = tpu.vector_load_idx %arg6[%parallel_loop3A_90] : memref<30720xf32, #tpu.memory_space<vmem>>[vector<16xi32>], vector<16xf32>,
      %parallel_loop3A_92 = arith.addf %parallel_loop3A_60, %parallel_loop3A_91 : vector<16xf32>
      %parallel_loop3A_93 = arith.index_cast %parallel_loop3A_54 : i32 to index
      %parallel_loop3A_94 = arith.constant 96 : index
      %parallel_loop3A_95 = tpu.vector_load %arg5[%parallel_loop3A_93, %parallel_loop3A_94] {strides = array<i32>} : memref<200x128xi32, #tpu.memory_space<vmem>>, vector<16xi32>,
      %parallel_loop3A_96 = tpu.vector_load_idx %arg6[%parallel_loop3A_95] : memref<30720xf32, #tpu.memory_space<vmem>>[vector<16xi32>], vector<16xf32>,
      %parallel_loop3A_97 = arith.addf %parallel_loop3A_61, %parallel_loop3A_96 : vector<16xf32>
      %parallel_loop3A_98 = arith.index_cast %parallel_loop3A_54 : i32 to index
      %parallel_loop3A_99 = arith.constant 112 : index
      %parallel_loop3A_100 = tpu.vector_load %arg5[%parallel_loop3A_98, %parallel_loop3A_99] {strides = array<i32>} : memref<200x128xi32, #tpu.memory_space<vmem>>, vector<16xi32>,
      %parallel_loop3A_101 = tpu.vector_load_idx %arg6[%parallel_loop3A_100] : memref<30720xf32, #tpu.memory_space<vmem>>[vector<16xi32>], vector<16xf32>,
      %parallel_loop3A_102 = arith.addf %parallel_loop3A_62, %parallel_loop3A_101 : vector<16xf32>
      scf.yield %parallel_loop3A_67, %parallel_loop3A_72, %parallel_loop3A_77, %parallel_loop3A_82, %parallel_loop3A_87, %parallel_loop3A_92, %parallel_loop3A_97, %parallel_loop3A_102 : vector<16xf32>, vector<16xf32>, vector<16xf32>, vector<16xf32>, vector<16xf32>, vector<16xf32>, vector<16xf32>, vector<16xf32>
    } {sc.loop_unroll_factor = 2 : i64, sc.parallel_access}
    %mul3A_13 = arith.constant 5.000000e-03 : f32
    %mul3A_14 = vector.broadcast %mul3A_13 : f32 to vector<16xf32>
    %mul3A_15 = arith.mulf %parallel_loop3A_12#0, %mul3A_14 : vector<16xf32>
    %swap3A = arith.constant 0 : index
    %swap3A_16 = tpu.vector_load %arg7[%swap3A] {strides = array<i32>} : memref<128xf32, #tpu.memory_space<vmem>>, vector<16xf32>,
    tpu.vector_store %arg7[%swap3A], %mul3A_15 {strides = array<i32>} : memref<128xf32, #tpu.memory_space<vmem>>, vector<16xf32>,
    %mul3A_17 = arith.constant 5.000000e-03 : f32
    %mul3A_18 = vector.broadcast %mul3A_17 : f32 to vector<16xf32>
    %mul3A_19 = arith.mulf %parallel_loop3A_12#1, %mul3A_18 : vector<16xf32>
    %swap3A_20 = arith.constant 16 : index
    %swap3A_21 = tpu.vector_load %arg7[%swap3A_20] {strides = array<i32>} : memref<128xf32, #tpu.memory_space<vmem>>, vector<16xf32>,
    tpu.vector_store %arg7[%swap3A_20], %mul3A_19 {strides = array<i32>} : memref<128xf32, #tpu.memory_space<vmem>>, vector<16xf32>,
    %mul3A_22 = arith.constant 5.000000e-03 : f32
    %mul3A_23 = vector.broadcast %mul3A_22 : f32 to vector<16xf32>
    %mul3A_24 = arith.mulf %parallel_loop3A_12#2, %mul3A_23 : vector<16xf32>
    %swap3A_25 = arith.constant 32 : index
    %swap3A_26 = tpu.vector_load %arg7[%swap3A_25] {strides = array<i32>} : memref<128xf32, #tpu.memory_space<vmem>>, vector<16xf32>,
    tpu.vector_store %arg7[%swap3A_25], %mul3A_24 {strides = array<i32>} : memref<128xf32, #tpu.memory_space<vmem>>, vector<16xf32>,
    %mul3A_27 = arith.constant 5.000000e-03 : f32
    %mul3A_28 = vector.broadcast %mul3A_27 : f32 to vector<16xf32>
    %mul3A_29 = arith.mulf %parallel_loop3A_12#3, %mul3A_28 : vector<16xf32>
    %swap3A_30 = arith.constant 48 : index
    %swap3A_31 = tpu.vector_load %arg7[%swap3A_30] {strides = array<i32>} : memref<128xf32, #tpu.memory_space<vmem>>, vector<16xf32>,
    tpu.vector_store %arg7[%swap3A_30], %mul3A_29 {strides = array<i32>} : memref<128xf32, #tpu.memory_space<vmem>>, vector<16xf32>,
    %mul3A_32 = arith.constant 5.000000e-03 : f32
    %mul3A_33 = vector.broadcast %mul3A_32 : f32 to vector<16xf32>
    %mul3A_34 = arith.mulf %parallel_loop3A_12#4, %mul3A_33 : vector<16xf32>
    %swap3A_35 = arith.constant 64 : index
    %swap3A_36 = tpu.vector_load %arg7[%swap3A_35] {strides = array<i32>} : memref<128xf32, #tpu.memory_space<vmem>>, vector<16xf32>,
    tpu.vector_store %arg7[%swap3A_35], %mul3A_34 {strides = array<i32>} : memref<128xf32, #tpu.memory_space<vmem>>, vector<16xf32>,
    %mul3A_37 = arith.constant 5.000000e-03 : f32
    %mul3A_38 = vector.broadcast %mul3A_37 : f32 to vector<16xf32>
    %mul3A_39 = arith.mulf %parallel_loop3A_12#5, %mul3A_38 : vector<16xf32>
    %swap3A_40 = arith.constant 80 : index
    %swap3A_41 = tpu.vector_load %arg7[%swap3A_40] {strides = array<i32>} : memref<128xf32, #tpu.memory_space<vmem>>, vector<16xf32>,
    tpu.vector_store %arg7[%swap3A_40], %mul3A_39 {strides = array<i32>} : memref<128xf32, #tpu.memory_space<vmem>>, vector<16xf32>,
    %mul3A_42 = arith.constant 5.000000e-03 : f32
    %mul3A_43 = vector.broadcast %mul3A_42 : f32 to vector<16xf32>
    %mul3A_44 = arith.mulf %parallel_loop3A_12#6, %mul3A_43 : vector<16xf32>
    %swap3A_45 = arith.constant 96 : index
    %swap3A_46 = tpu.vector_load %arg7[%swap3A_45] {strides = array<i32>} : memref<128xf32, #tpu.memory_space<vmem>>, vector<16xf32>,
    tpu.vector_store %arg7[%swap3A_45], %mul3A_44 {strides = array<i32>} : memref<128xf32, #tpu.memory_space<vmem>>, vector<16xf32>,
    %mul3A_47 = arith.constant 5.000000e-03 : f32
    %mul3A_48 = vector.broadcast %mul3A_47 : f32 to vector<16xf32>
    %mul3A_49 = arith.mulf %parallel_loop3A_12#7, %mul3A_48 : vector<16xf32>
    %swap3A_50 = arith.constant 112 : index
    %swap3A_51 = tpu.vector_load %arg7[%swap3A_50] {strides = array<i32>} : memref<128xf32, #tpu.memory_space<vmem>>, vector<16xf32>,
    tpu.vector_store %arg7[%swap3A_50], %mul3A_49 {strides = array<i32>} : memref<128xf32, #tpu.memory_space<vmem>>, vector<16xf32>,
    %mul3A_52 = arith.constant 128 : i32
    %mul3A_53 = arith.muli %add3A, %mul3A_52 : i32
    "tpu.region"() ({
      %run_scoped3A = tpu.sem_alloc : memref<!tpu.dma_semaphore, #tpu.memory_space<semaphore_mem>>
      %dma_start3A_54 = tpu.memref_slice %arg4[%mul3A_53] : memref<4096xf32, #tpu.memory_space<hbm>> -> memref<128xf32, #tpu.memory_space<hbm>>
      %dma_start3A_55 = tpu.memref_slice %arg4[%mul3A_53] : memref<4096xf32, #tpu.memory_space<hbm>> -> memref<128xf32, #tpu.memory_space<hbm>>
      tpu.enqueue_dma source(%arg7 : memref<128xf32, #tpu.memory_space<vmem>>) target(%dma_start3A_55 : memref<128xf32, #tpu.memory_space<hbm>>) target_semaphore(%run_scoped3A : memref<!tpu.dma_semaphore, #tpu.memory_space<semaphore_mem>>)
      %dma_wait3A_56 = tpu.memref_slice %arg4[%mul3A_53] : memref<4096xf32, #tpu.memory_space<hbm>> -> memref<128xf32, #tpu.memory_space<hbm>>
      %dma_wait3A_57 = tpu.memref_slice %arg4[%mul3A_53] : memref<4096xf32, #tpu.memory_space<hbm>> -> memref<128xf32, #tpu.memory_space<hbm>>
      tpu.wait_dma2 semaphore(%run_scoped3A : memref<!tpu.dma_semaphore, #tpu.memory_space<semaphore_mem>>) src(%arg7 : memref<128xf32, #tpu.memory_space<vmem>>) dst(%dma_wait3A_57 : memref<128xf32, #tpu.memory_space<hbm>>)
      tpu.yield
    }) : () -> ()
    return
  }
}

module attributes {stable_mosaic.version = 14 : i64} {
  func.func @_matvec_body(%arg0: i32, %arg1: memref<3072x768xf32, #tpu.memory_space<vmem>>, %arg2: memref<1x768xf32, #tpu.memory_space<vmem>>, %arg3: memref<1xf32, #tpu.memory_space<smem>>, %arg4: memref<3072xf32, #tpu.memory_space<vmem>>) attributes {dimension_semantics = [#tpu.dimension_semantics<arbitrary>], iteration_bounds = array<i64: 10>, scalar_prefetch = 0 : i64, scratch_operands = 0 : i64, tpu.core_type = #tpu.core_type<tc>, window_params = [{transform_indices = @transform_0, window_bounds = array<i64: 3072, 768>}, {pipeline_mode = #tpu.pipeline_mode<synchronous>, transform_indices = @transform_1, window_bounds = array<i64: 1, 768>}, {transform_indices = @transform_2, window_bounds = array<i64: 1>}, {transform_indices = @transform_3, window_bounds = array<i64: 3072>}]} {
    %get3A = arith.constant 0 : index
    %get3A_0 = arith.constant 0 : index
    %get3A_1 = vector.load %arg1[%get3A, %get3A_0] : memref<3072x768xf32, #tpu.memory_space<vmem>>, vector<3072x768xf32>
    %get3A_2 = arith.constant 0 : index
    %get3A_3 = arith.constant 0 : index
    %get3A_4 = vector.load %arg2[%get3A_2, %get3A_3] : memref<1x768xf32, #tpu.memory_space<vmem>>, vector<1x768xf32>
    %mul3A = vector.broadcast %get3A_4 : vector<1x768xf32> to vector<3072x768xf32>
    %mul3A_5 = arith.mulf %get3A_1, %mul3A : vector<3072x768xf32>
    %reduce_sum3A = arith.constant dense<0.000000e+00> : vector<3072xf32>
    %reduce_sum3A_6 = vector.multi_reduction <add>, %mul3A_5, %reduce_sum3A [1] : vector<3072x768xf32> to vector<3072xf32>
    %get3A_7 = arith.constant 0 : index
    %get3A_8 = memref.load %arg3[%get3A_7] : memref<1xf32, #tpu.memory_space<smem>>
    %add3A = vector.broadcast %get3A_8 : f32 to vector<3072xf32>
    %add3A_9 = arith.addf %reduce_sum3A_6, %add3A : vector<3072xf32>
    %swap3A = arith.constant 0 : index
    %swap3A_10 = vector.load %arg4[%swap3A] : memref<3072xf32, #tpu.memory_space<vmem>>, vector<3072xf32>
    tpu.vector_store %arg4[%swap3A], %add3A_9 {strides = array<i32>} : memref<3072xf32, #tpu.memory_space<vmem>>, vector<3072xf32>,
    return
  }
  func.func @transform_0(%arg0: i32) -> (i32, i32) {
    %c0_i32 = arith.constant 0 : i32
    %c0_i32_0 = arith.constant 0 : i32
    return %arg0, %c0_i32 : i32, i32
  }
  func.func @transform_1(%arg0: i32) -> (i32, i32) {
    %c0_i32 = arith.constant 0 : i32
    %c0_i32_0 = arith.constant 0 : i32
    %c0_i32_1 = arith.constant 0 : i32
    return %c0_i32, %c0_i32_0 : i32, i32
  }
  func.func @transform_2(%arg0: i32) -> i32 {
    %c0_i32 = arith.constant 0 : i32
    %c0_i32_0 = arith.constant 0 : i32
    return %c0_i32 : i32
  }
  func.func @transform_3(%arg0: i32) -> i32 {
    %c0_i32 = arith.constant 0 : i32
    return %arg0 : i32
  }
}

</mosaic_0001>

<sc_bundles>
// kernel: kernel.4.cloned.1.call-start
scs
__scs_entry_jumppad:
0x0: {  	(pc) =	sbr.rel $0x88, $3  }
0x1: {  	(tag) =	ssettag $0x0;
	lr =	simm.s32 $0x1  }
0x2: {  	[smem:$0x3F9D] =	sst lr;
	_ =	strace $0xD0000000  }
0x3: {  	_ = 	snop  }
0x4: {  	_ = 	snop  }
0x5: {  	_ = 	snop  }
0x6: {  	_ = 	snop  }
0x7: {  	_ = 	snop  }
__scs_overlays_trampoline_lowered:
0x8: {  	[smem:$0x3FAC] =	sst s0  }
0x9: {  	[smem:$0x3FAD] =	sst s1  }
0xa: {  	[smem:$0x3FAE] =	sst s2  }
0xb: {  	[smem:$0x3FAF] =	sst s3  }
0xc: {  	[smem:$0x3FB0] =	sst s4  }
0xd: {  	[smem:$0x3FB1] =	sst s5  }
0xe: {  	[smem:$0x3FB2] =	sst s6  }
0xf: {  	[smem:$0x3FB3] =	sst s7  }
0x10: {  	[smem:$0x3FB4] =	sst s8  }
0x11: {  	[smem:$0x3FB5] =	sst s9;
	s0 =	simm.s32 @!p0 $0x0  }
0x12: {  	s1 =	sld [smem:$0x3F9B];
	s0 =	simm.s32 @p0 $0x1  }
0x13: {  	[smem:$0x3FB6] =	sst s0;
	s0 =	simm.s32 @!p1 $0x0  }
0x14: {  	s2 =	sld [smem:$0x3F9A];
	s0 =	simm.s32 @p1 $0x1  }
0x15: {  	[smem:$0x3FB7] =	sst s0;
	s0 =	simm.s32 @!p2 $0x0  }
0x16: {  	s3 =	sld [smem:$0x3FDB];
	s0 =	simm.s32 @p2 $0x1  }
0x17: {  	s4 =	simm.s32 $0x1BF5;
	[smem:$0x3FB9] =	sst s0  }
0x18: {  	s0 =	sld [smem:$0x3F9C];
	_ =	swait.ge [sflag:s4], $0x0  }
0x19: {  	s7 =	sld [smem:$0x3F9D]  }
0x1a: {  	s8 =	sadd.s32 $0xFFFFE003, lr  }
0x1b: {  	s9 =	sadd.s32 $0xFFFFFEF7, lr;
	s5 =	simm.s32 $0xFFFFFFFF;
	p2 =	slt.u32 s8, $0xFFFFF086  }
0x1c: {  	p1 =	slt.u32 s9, $0xF7A;
	s5 =	simm.s32 @!p2 $0x0  }
0x1d: {  	s5 =	simm.s32 @p1 $0x1;
	p0 =	seq.s32 s7, s2  }
0x1e: {  	s7 =	smul.u32 @!p0 $0xF7A, s2;
	p2 =	seq.s32 @!p0 s5, $0x0  }
0x1f: {  	s9 =	smul.u32 $0xF7A, s1;
	s8 =	simm.s32 @!p0 $0x1BF5;
	p2 =	por !p2, p0  }
0x20: {  	[sflag:s8] =	ssyncset.s32 @!p0 $0xFFFFF086;
	s6 =	sadd.s32 @!p0 s3, s7;
	s7 =	simm.s32 @!p0 $0x108  }
0x21: {  	s3 =	sadd.s32 s3, s9;
	s6 =	sadd.s32 @!p0 $0x88, s6;
	s7 =	simm.s32 @p2 $0x1082  }
0x22: {  	[simem:s7], [sflag:s8] =	dma.local @!p0 [hbm:s6], $0xF7A  }
0x23: {  	s9 =	sor.u32 $0xD0000000, s2;
	s6 =	simm.s32 $0x108;
	_ =	swait.ge @!p0 [sflag:s8], $0x0  }
0x24: {  	s3 =	sadd.s32 $0x88, s3;
	s6 =	simm.s32 @!p1 $0x1082;
	[sflag:s4] =	ssyncset.s32 $0xFFFFF086  }
0x25: {  	[simem:s6], [sflag:s4] =	dma.local [hbm:s3], $0xF7A  }
0x26: {  	[smem:$0x3F9D] =	sst s1;
	(tag) =	ssettag s2;
	_ =	strace s9  }
0x27: {  	s1 =	sld [smem:$0x3FAD]  }
0x28: {  	s2 =	sld [smem:$0x3FAE]  }
0x29: {  	s4 =	sld [smem:$0x3FB0]  }
0x2a: {  	p0 =	seq.s32 s5, $0x0;
	s5 =	sld [smem:$0x3FB1]  }
0x2b: {  	s6 =	sld [smem:$0x3FB2]  }
0x2c: {  	s7 =	sld [smem:$0x3FB3]  }
0x2d: {  	s3 =	simm.s32 $0x108;
	s8 =	sld [smem:$0x3FB4]  }
0x2e: {  	s3 =	simm.s32 @!p0 $0x1082;
	s9 =	sld [smem:$0x3FB5]  }
0x2f: {  	lr =	sadd.s32 s0, s3;
	s0 =	sld [smem:$0x3FAC]  }
0x30: {  	s3 =	sld [smem:$0x3FAF]  }
0x31: {  	[smem:$0x3FB8] =	sst s10  }
0x32: {  	s10 =	sld [smem:$0x3FB6];
	_ =	sdelay $0x3  }
0x33: {  	p0 =	seq.s32 s10, $0x1;
	s10 =	sld [smem:$0x3FB8];
	_ =	sdelay $0x3  }
0x34: {  	[smem:$0x3FB8] =	sst s10  }
0x35: {  	s10 =	sld [smem:$0x3FB7];
	_ =	sdelay $0x3  }
0x36: {  	p1 =	seq.s32 s10, $0x1;
	s10 =	sld [smem:$0x3FB8];
	_ =	sdelay $0x3  }
0x37: {  	[smem:$0x3FB8] =	sst s10  }
0x38: {  	s10 =	sld [smem:$0x3FB9]  }
0x39: {  	_ = 	snop;
	(pc) =	sbr.ind lr, $3  }
0x3a: {  	_ = 	snop  }
0x3b: {  	_ = 	snop  }
0x3c: {  	p2 =	seq.s32 s10, $0x1;
	s10 =	sld [smem:$0x3FB8]  }
0x3d: {  	_ =	shalt  }
0x3e: {  	_ =	shalt  }
0x3f: {  	_ =	shalt  }
0x40: {  	_ =	shalt  }
0x41: {  	_ =	shalt  }
0x42: {  	_ =	shalt  }
0x43: {  	_ =	shalt  }
0x44: {  	_ =	shalt  }
0x45: {  	_ =	shalt  }
0x46: {  	_ =	shalt  }
0x47: {  	_ =	shalt  }
0x48: {  	_ =	shalt  }
0x49: {  	_ =	shalt  }
0x4a: {  	_ =	shalt  }
0x4b: {  	_ =	shalt  }
0x4c: {  	_ =	shalt  }
0x4d: {  	_ =	shalt  }
0x4e: {  	_ =	shalt  }
0x4f: {  	_ =	shalt  }
0x50: {  	_ =	shalt  }
0x51: {  	_ =	shalt  }
0x52: {  	_ =	shalt  }
0x53: {  	_ =	shalt  }
0x54: {  	_ =	shalt  }
0x55: {  	_ =	shalt  }
0x56: {  	_ =	shalt  }
0x57: {  	_ =	shalt  }
0x58: {  	_ =	shalt  }
0x59: {  	_ =	shalt  }
0x5a: {  	_ =	shalt  }
0x5b: {  	_ =	shalt  }
0x5c: {  	_ =	shalt  }
0x5d: {  	_ =	shalt  }
0x5e: {  	_ =	shalt  }
0x5f: {  	_ =	shalt  }
0x60: {  	_ =	shalt  }
0x61: {  	_ =	shalt  }
0x62: {  	_ =	shalt  }
0x63: {  	_ =	shalt  }
0x64: {  	_ =	shalt  }
0x65: {  	_ =	shalt  }
0x66: {  	_ =	shalt  }
0x67: {  	_ =	shalt  }
0x68: {  	_ =	shalt  }
0x69: {  	_ =	shalt  }
0x6a: {  	_ =	shalt  }
0x6b: {  	_ =	shalt  }
0x6c: {  	_ =	shalt  }
0x6d: {  	_ =	shalt  }
0x6e: {  	_ =	shalt  }
0x6f: {  	_ =	shalt  }
0x70: {  	_ =	shalt  }
0x71: {  	_ =	shalt  }
0x72: {  	_ =	shalt  }
0x73: {  	_ =	shalt  }
0x74: {  	_ =	shalt  }
0x75: {  	_ =	shalt  }
0x76: {  	_ =	shalt  }
0x77: {  	_ =	shalt  }
0x78: {  	_ =	shalt  }
0x79: {  	_ =	shalt  }
0x7a: {  	_ =	shalt  }
0x7b: {  	_ =	shalt  }
0x7c: {  	_ =	shalt  }
0x7d: {  	_ =	shalt  }
0x7e: {  	_ =	shalt  }
0x7f: {  	_ =	shalt  }
0x80: {  	_ =	shalt  }
0x81: {  	_ =	shalt  }
0x82: {  	_ =	shalt  }
0x83: {  	_ =	shalt  }
0x84: {  	_ =	shalt  }
0x85: {  	_ =	shalt  }
0x86: {  	_ =	shalt  }
0x87: {  	_ =	shalt  }
.Lfunc_end0:
.L_simem_size_0:
called_computation_lowered:
.L_overlay_start_0:
0x88: {  	s2 =	sld [smem:$0x3FD9]  }
0x89: {  	s3 =	sld [smem:$0x3FFE];
	_ =	sdelay $0x1  }
0x8a: {  	s1 =	srdreg.scid  }
0x8b: {  	s0 =	sand.u32 $0x1, s1  }
0x8c: {  	s17 =	sshll.u32 s0, $0xA;
	s2 =	sadd.s32 s3, s2  }
0x8d: {  	s2 =	sadd.s32 s2, s17  }
0x8e: {  	[smem:$0x3FC4] =	sst s2  }
0x8f: {  	_ = 	snop  }
0x90: {  	s2 =	sld [smem:$0x3FC9]  }
0x91: {  	s18 =	sld [smem:$0x3FD0];
	(tm) =	ssettm $0x1  }
0x92: {  	s4 =	sld [smem:$0x3FFB];
	_ =	sdelay $0x3  }
0x93: {  	_ =	strace s4  }
0x94: {  	s4 =	sld [smem:$0x3FFC];
	_ =	sdelay $0x3  }
0x95: {  	_ =	strace s4  }
0x96: {  	s4 =	sld [smem:$0x3FFD];
	_ =	sdelay $0x3  }
0x97: {  	_ =	strace s4  }
0x98: {  	_ =	strace $0x8FFFFFFF  }
0x99: {  	s19 =	sld [smem:$0x3FDB];
	_ =	sdelay $0x1  }
0x9a: {  	s5 =	simm.s32 $_scs_section_size  }
0x9b: {  	s6 =	simm.s32 $_size__tile_overlayer_lowered;
	s7 =	simm.s32 $_tile_overlayer_lowered  }
0x9c: {  	s22 =	simm.s32 $0x1BFF;
	s21 =	sshll.u32 s7, $0x1;
	s4 =	sadd.s32 s5, s19  }
0x9d: {  	s8 =	simm.s32 $0x0;
	s20 =	sshll.u32 s6, $0x1;
	s6 =	sadd.s32 s21, s4  }
0x9e: {  	[timem:s8], [sflag:s22] =	dma.local [hbm:s6], s20  }
0x9f: {  	_ =	swait.ge [sflag:s22], s20  }
0xa0: {  	s5 =	ssub.s32 $0x0, s20;
	[sflag:s22] =	ssyncset.done $0x0  }
0xa1: {  	[sflag:s22] =	ssyncadd.s32 s5;
	_ =	sdelay $0x1  }
0xa2: {  	s23 =	simm.s32 $0x1B8B  }
0xa3: {  	_ =	swait.ge [sflag:s23], $0x1  }
0xa4: {  	[sflag:s23] =	ssyncset.done $0x0  }
0xa5: {  	s25 =	simm.s32 $0x1B8E;
	s24 =	sld [smem:$0x3FFE];
	[sflag:s23] =	ssyncadd.s32 $0xFFFFFFFF  }
0xa6: {  	s26 =	simm.s32 $execute0_lowered;
	[smem:$0x3FD2] =	sst s25  }
0xa7: {  	s6 =	sshll.u32 s26, $0x1;
	_ =	strace $0x80000046;
	[dreg:$0x1] =	wrdreg $0xFFFFFFFF  }
0xa8: {  	s28 =	simm.s32 $_size_execute0_lowered;
	s4 =	sadd.s32 s4, s6;
	[dreg:$0x0] =	wrdreg $0x0  }
0xa9: {  	s6 =	sshll.u32 s28, $0x1;
	[dreg:$0x2] =	wrdreg s4  }
0xaa: {  	[dreg:$0x3] =	wrdreg s6  }
0xab: {  	[dreg:$0x4] =	wrdreg $0xC0  }
0xac: {  	_ =	task [dreg:s8], $0x5FFFF  }
0xad: {  	[dreg:$0x1] =	wrdreg $0xFFFFFFFF  }
0xae: {  	[dreg:$0x0] =	wrdreg $0x60  }
0xaf: {  	[dreg:$0x2] =	wrdreg s2  }
0xb0: {  	[dreg:$0x3] =	wrdreg s24  }
0xb1: {  	[dreg:$0x4] =	wrdreg s18  }
0xb2: {  	[dreg:$0x5] =	wrdreg $0x9  }
0xb3: {  	_ =	task.clear_ibuf [dreg:s8], $0x6FFFF;
	_ =	strace $0x90000046  }
0xb4: {  	s29 =	simm.s32 $0x9;
	_ =	strace $0x80000048  }
0xb5: {  	_ =	swait.ge [sflag:s29], $0x1  }
0xb6: {  	[sflag:s29] =	ssyncadd.s32 $0xFFFFFFFF  }
0xb7: {  	_ =	strace $0x90000048  }
0xb8: {  	_ =	sfence  }
0xb9: {  	s30 =	sld [smem:$0x0];
	_ =	sdelay $0x2  }
0xba: {  	s31 =	sshll.u32 s1, $0xD;
	s1 =	sshrl.u32 s1, $0x2  }
0xbb: {  	s3 =	sand.u32 $0x4000, s31;
	s1 =	sadd.s32 s1, s30  }
0xbc: {  	s0 =	sor.u32 s3, s0;
	s1 =	sshll.u32 s1, $0x11  }
0xbd: {  	s0 =	sor.u32 s1, s0  }
0xbe: {  	s0 =	sadd.s32 $0x8F2B, s0  }
0xbf: {  	[sflag:s0] =	ssyncadd.remote.s32 $0x1  }
0xc0: {  	_ =	sfence.sel $0xFFFF  }
0xc1: {  	[dreg:$0x0] =	wrdreg $0xFFFFFFFF;
	(pc) =	sbr.abs _section_cstart, $3  }
0xc2: {  	[dreg:$0x1] =	wrdreg $0xFFFFFFFF  }
0xc3: {  	_ =	task.clear_ibuf [dreg:s8], $0x2FFFF;
	_ =	strace $0x9FFFFFFF  }
0xc4: {  	(tm) =	ssettm $0x7FFFFFFF  }
0xc5: {  	_ =	shalt  }
tec
execute0_lowered:
.L_overlay_start_1:
0x0: {  	(tag) =	ssettag $0x1  }
0x1: {  	s4 =	rddreg [dreg:$0x0]  }
0x2: {  	s3 =	rddreg [dreg:$0x1]  }
0x3: {  	s5 =	rddreg [dreg:$0x2]  }
0x4: {  	s0 =	rddreg [dreg:$0x3];
	s2 =	simm.s32 $0x0  }
0x5: {  	s6 =	srdreg.scid;
	s1 =	stileid.u32;
	s10 =	simm.s32 $0x1  }
0x6: {  	s11 =	simm.s32 $0x2;
	s12 =	simm.s32 $0xDC00;
	s13 =	simm.s32 $0x3  }
0x7: {  	s14 =	simm.s32 $0x0;
	[smem:$0x7FF] =	sst s2;
	s6 =	sand.u32 $0x1, s6  }
0x8: {  	s7 =	sshll.u32 s1, $0x1;
	s3 =	sadd.s32 $0x800, s3;
	s8 =	ssub.s32 $0x2, s6  }
0x9: {  	_ =	strace $0x80000047;
	s6 =	sor.u32 s6, s7;
	s31 =	sshrl.u32 s8, $0x1  }
0xa: {  	s9 =	sshll.u32 s6, $0x7;
	s6 =	sshll.u32 s6, $0x4;
	s7 =	ssub.s32 s8, s31  }
0xb: {  	s4 =	sadd.s32 s4, s9;
	s5 =	sadd.s32 s5, s6;
	s8 =	simm.s32 $0x400  }
0xc: {  	s9 =	simm.s32 $0x8000;
	s6 =	smax.u32 s7, $0x1;
	s7 =	simm.s32 $0x6400  }
.LBB2_1:
0xd: {  	[tilespmem:s7], [sflag:$0x1] =	stream.linear.gather [hbm4b:s3+s2], $0x7800, $0x38;
	[tilespmem:$0xDC80] =	vst v63  }
0xe: {  	_ = 	snop  }
0xf: {  	[tilespmem:s2], [sflag:$0x2] =	stream.strided.gather [hbm4b:s4+s8], $0x6400, s9, s8, $0x38;
	[tilespmem:$0xDC80] =	vst v63  }
0x10: {  	_ =	swait.ge [sflag:s10], $0x7800  }
0x11: {  	[sflag:s10] =	ssyncset.done $0x0  }
0x12: {  	[sflag:s10] =	ssyncadd.s32 $0xFFFF8800  }
0x13: {  	_ =	swait.ge [sflag:s11], $0x6400  }
0x14: {  	[sflag:s11] =	ssyncset.done $0x0  }
0x15: {  	s15 =	simm.s32 $0x80;
	[sflag:s11] =	ssyncadd.s32 $0xFFFF9C00  }
0x16: {  	v0 =	vld [tilespmem:s15+$0x0]  }
0x17: {  	v1 =	vld [tilespmem:s15+$0x10]  }
0x18: {  	v2 =	vld [tilespmem:s15+$0x20]  }
0x19: {  	v3 =	vld [tilespmem:s15+$0x30]  }
0x1a: {  	v4 =	vld [tilespmem:s15+$0x40]  }
0x1b: {  	v10 =	vld [tilespmem:s15+$0x50]  }
0x1c: {  	v12 =	vld [tilespmem:s15+$0x60]  }
0x1d: {  	v20 =	vld [tilespmem:s15+$0x70]  }
0x1e: {  	v11 =	vld [tilespmem:s15+$0xFFFFFF80]  }
0x1f: {  	v13 =	vld [tilespmem:s15+$0xFFFFFF90]  }
0x20: {  	v14 =	vld [tilespmem:s15+$0xFFFFFFA0]  }
0x21: {  	v15 =	vld [tilespmem:s15+$0xFFFFFFB0]  }
0x22: {  	v16 =	vld [tilespmem:s15+$0xFFFFFFC0]  }
0x23: {  	v17 =	vld [tilespmem:s15+$0xFFFFFFD0]  }
0x24: {  	v18 =	vld [tilespmem:s15+$0xFFFFFFE0]  }
0x25: {  	v19 =	vld [tilespmem:s15+$0xFFFFFFF0]  }
0x26: {  	v7 =	vld.idx.msk [tilespmem:v0+s7+$0x0], $0xffff  }
0x27: {  	v9 =	vld.idx.msk [tilespmem:v1+s7+$0x0], $0xffff  }
0x28: {  	v8 =	vld.idx.msk [tilespmem:v2+s7+$0x0], $0xffff  }
0x29: {  	v6 =	vld.idx.msk [tilespmem:v3+s7+$0x0], $0xffff  }
0x2a: {  	v5 =	vld.idx.msk [tilespmem:v4+s7+$0x0], $0xffff  }
0x2b: {  	v4 =	vld.idx.msk [tilespmem:v10+s7+$0x0], $0xffff  }
0x2c: {  	v1 =	vld.idx.msk [tilespmem:v11+s7+$0x0], $0xffff  }
0x2d: {  	v2 =	vld.idx.msk [tilespmem:v13+s7+$0x0], $0xffff  }
0x2e: {  	v3 =	vld.idx.msk [tilespmem:v14+s7+$0x0], $0xffff  }
0x2f: {  	v21 =	vld.idx.msk [tilespmem:v15+s7+$0x0], $0xffff  }
0x30: {  	v15 =	vld.idx.msk [tilespmem:v16+s7+$0x0], $0xffff  }
0x31: {  	v14 =	vld.idx.msk [tilespmem:v17+s7+$0x0], $0xffff  }
0x32: {  	v0 =	vimm.f32 $0.0e+00;
	v13 =	vld.idx.msk [tilespmem:v18+s7+$0x0], $0xffff  }
0x33: {  	v11 =	vld.idx.msk [tilespmem:v19+s7+$0x0], $0xffff;
	v17 =	vadd.f32 v1, v0;
	v18 =	vadd.f32 v2, v0  }
0x34: {  	v10 =	vld.idx.msk [tilespmem:v12+s7+$0x0], $0xffff;
	v19 =	vadd.f32 v3, v0;
	v16 =	vadd.f32 v21, v0  }
0x35: {  	s16 =	simm.s32 $0x180;
	s15 =	simm.s32 $0x0;
	v12 =	vld.idx.msk [tilespmem:v20+s7+$0x0], $0xffff;
	v3 =	vimm.f32 $0.0e+00;
	v2 =	vimm.f32 $0.0e+00;
	v1 =	vimm.f32 $0.0e+00  }
.LBB2_2:
0x36: {  	v20 =	vld [tilespmem:s16+$0x0];
	v17 =	vadd.f32 v7, v17;
	v18 =	vadd.f32 v9, v18  }
0x37: {  	v9 =	vld [tilespmem:s16+$0x10];
	v19 =	vadd.f32 v8, v19;
	v16 =	vadd.f32 v6, v16  }
0x38: {  	v0 =	vadd.f32 v15, v0;
	v3 =	vadd.f32 v14, v3;
	v6 =	vld [tilespmem:s16+$0x20]  }
0x39: {  	v2 =	vadd.f32 v13, v2;
	v1 =	vadd.f32 v11, v1;
	v14 =	vld [tilespmem:s16+$0x30]  }
0x3a: {  	v0 =	vadd.f32 v5, v0;
	v3 =	vadd.f32 v4, v3;
	v11 =	vld [tilespmem:s16+$0x40]  }
0x3b: {  	v2 =	vadd.f32 v10, v2;
	v1 =	vadd.f32 v12, v1;
	v4 =	vld [tilespmem:s16+$0x50]  }
0x3c: {  	v10 =	vld [tilespmem:s16+$0x60]  }
0x3d: {  	v12 =	vld [tilespmem:s16+$0x70]  }
0x3e: {  	v13 =	vld [tilespmem:s16+$0xFFFFFF80]  }
0x3f: {  	v15 =	vld [tilespmem:s16+$0xFFFFFF90]  }
0x40: {  	v21 =	vld [tilespmem:s16+$0xFFFFFFA0]  }
0x41: {  	v22 =	vld [tilespmem:s16+$0xFFFFFFB0]  }
0x42: {  	v23 =	vld [tilespmem:s16+$0xFFFFFFC0]  }
0x43: {  	v24 =	vld [tilespmem:s16+$0xFFFFFFD0]  }
0x44: {  	v25 =	vld [tilespmem:s16+$0xFFFFFFE0]  }
0x45: {  	v26 =	vld [tilespmem:s16+$0xFFFFFFF0]  }
0x46: {  	v7 =	vld.idx.msk [tilespmem:v20+s7+$0x0], $0xffff  }
0x47: {  	v9 =	vld.idx.msk [tilespmem:v9+s7+$0x0], $0xffff  }
0x48: {  	v8 =	vld.idx.msk [tilespmem:v6+s7+$0x0], $0xffff  }
0x49: {  	v6 =	vld.idx.msk [tilespmem:v14+s7+$0x0], $0xffff  }
0x4a: {  	v5 =	vld.idx.msk [tilespmem:v11+s7+$0x0], $0xffff  }
0x4b: {  	s15 =	sadd.s32 $0x2, s15;
	v4 =	vld.idx.msk [tilespmem:v4+s7+$0x0], $0xffff  }
0x4c: {  	p0 =	slt.u32 s15, $0xC6;
	v20 =	vld.idx.msk [tilespmem:v13+s7+$0x0], $0xffff  }
0x4d: {  	v27 =	vld.idx.msk [tilespmem:v15+s7+$0x0], $0xffff  }
0x4e: {  	v21 =	vld.idx.msk [tilespmem:v21+s7+$0x0], $0xffff  }
0x4f: {  	v22 =	vld.idx.msk [tilespmem:v22+s7+$0x0], $0xffff  }
0x50: {  	v15 =	vld.idx.msk [tilespmem:v23+s7+$0x0], $0xffff  }
.Ltmp0:
0x51: {  	v14 =	vld.idx.msk [tilespmem:v24+s7+$0x0], $0xffff;
	(pc) =	sbr.rel @p0 .LBB2_2-.Ltmp0, $4  }
0x52: {  	v13 =	vld.idx.msk [tilespmem:v25+s7+$0x0], $0xffff  }
0x53: {  	v11 =	vld.idx.msk [tilespmem:v26+s7+$0x0], $0xffff  }
0x54: {  	v17 =	vadd.f32 v20, v17;
	v18 =	vadd.f32 v27, v18;
	v10 =	vld.idx.msk [tilespmem:v10+s7+$0x0], $0xffff  }
0x55: {  	s16 =	sadd.s32 $0x100, s16;
	v19 =	vadd.f32 v21, v19;
	v16 =	vadd.f32 v22, v16;
	v12 =	vld.idx.msk [tilespmem:v12+s7+$0x0], $0xffff  }
0x56: {  	v7 =	vadd.f32 v7, v17  }
0x57: {  	v9 =	vadd.f32 v9, v18  }
0x58: {  	v0 =	vadd.f32 v15, v0;
	v8 =	vadd.f32 v8, v19;
	v7 =	vmul.f32 $4.999999890e-03, v7  }
0x59: {  	v3 =	vadd.f32 v14, v3;
	v6 =	vadd.f32 v6, v16;
	v9 =	vmul.f32 $4.999999890e-03, v9  }
0x5a: {  	v2 =	vadd.f32 v13, v2;
	v0 =	vadd.f32 v5, v0;
	v61 =	vmul.f32 $4.999999890e-03, v8;
	[tilespmem:$0xDC00] =	vst v7  }
0x5b: {  	v1 =	vadd.f32 v11, v1;
	v3 =	vadd.f32 v4, v3;
	v62 =	vmul.f32 $4.999999890e-03, v6;
	[tilespmem:$0xDC10] =	vst v9  }
0x5c: {  	v2 =	vadd.f32 v10, v2;
	v0 =	vmul.f32 $4.999999890e-03, v0;
	[tilespmem:$0xDC20] =	vst v61  }
0x5d: {  	v1 =	vadd.f32 v12, v1;
	v3 =	vmul.f32 $4.999999890e-03, v3;
	[tilespmem:$0xDC30] =	vst v62  }
0x5e: {  	v63 =	vmul.f32 $4.999999890e-03, v2;
	[tilespmem:$0xDC40] =	vst v0  }
0x5f: {  	s14 =	sadd.s32 $0x1, s14;
	[tilespmem:$0xDC50] =	vst v3;
	v1 =	vmul.f32 $4.999999890e-03, v1  }
0x60: {  	p0 =	sne.s32 s14, s6;
	[tilespmem:$0xDC60] =	vst v63  }
.Ltmp1:
0x61: {  	[tilespmem:$0xDC70] =	vst v1;
	(pc) =	sbr.rel @p0 .LBB2_1-.Ltmp1, $4  }
0x62: {  	[hbm4b:s5+s2] =	stream.linear.scatter [tilespmem:s12], [sflag:$0x3], $0x80, $0x38;
	[tilespmem:$0xDC80] =	vst v63  }
0x63: {  	_ =	swait.ge [sflag:s13], $0x80  }
0x64: {  	[sflag:s13] =	ssyncset.done $0x0  }
0x65: {  	[sflag:s13] =	ssyncadd.s32 $0xFFFFFF80  }
0x66: {  	_ =	sfence.sel $0x180000  }
0x67: {  	[bflag:$0x0] =	sbarrier.arrive $0xFFFF  }
0x68: {  	p0 =	sne.s32 s1, $0x0;
	_ =	strace $0x90000047  }
0x69: {  	s0 =	sadd.s32 @!p0 $0x100000, s0;
	[bflag:$0x2] =	sbarrier.arrive $0xFFFF  }
0x6a: {  	[sflag:s0] =	ssyncadd.tile.s32 @!p0 $0x1;
	_ =	shalt  }
.Lfunc_end2:
_tile_overlayer_lowered:
.L_overlay_start_2:
0x6b: {  	(tag) =	ssettag $0x2  }
0x6c: {  	s0 =	rddreg [dreg:$0x0];
	s2 =	stileid.u32  }
0x6d: {  	s1 =	rddreg [dreg:$0x1];
	p0 =	sne.s32 s2, $0x0  }
0x6e: {  	s3 =	rddreg [dreg:$0x2];
	[bflag:$0x3] =	sbarrier.arrive $0xFFFF;
	s2 =	simm.s32 @!p0 $0x1C03  }
0x6f: {  	[timem:s3], [sflag:s2] =	dma.local @!p0 [hbm:s0], s1  }
0x70: {  	s0 =	simm.s32 @!p0 $0x3  }
0x71: {  	_ =	swait.ge @!p0 [sflag:s0], s1  }
0x72: {  	s1 =	ssub.s32 @!p0 $0x0, s1;
	[sflag:s0] =	ssyncset.done @!p0 $0x0  }
0x73: {  	[sflag:s0] =	ssyncadd.s32 @!p0 s1  }
0x74: {  	[bflag:$0x3] =	sbarrier.arrive $0xFFFF  }
0x75: {  	_ =	shalt  }

</sc_bundles>
